<compile_context>
chip_gen: v7x
topology: tpu7x:2x2x1
jax: 0.10.2.dev20260603
libtpu: 0.0.44.dev20260713+nightly
codegen_flags: <defaults>
</compile_context>

<pallas_src>
import functools

import jax
import jax.numpy as jnp
import numpy as np
from jax import lax
from jax.experimental import pallas as pl
from jax.experimental.pallas import tpu as pltpu
from jax.experimental.pallas import tpu_sc as plsc

_CUKA1 = 1.540598
_CUKA2 = 1.544426
_KA1_MULT = 0.5771816010184

_N = 160
_ROWS = 32768
_BLOCK_COLS = 8192


def _interp_tables():
    x_mesh = np.arange(5.0, 165.0, 1.0, dtype=np.float32)
    delta = (
        2.0 * np.degrees(np.arcsin(
            np.float32(_CUKA2) * np.sin(np.radians(np.float32(0.5) * x_mesh))
            / np.float32(_CUKA1)))
        - x_mesh
    ).astype(np.float32)
    doublet = (x_mesh * x_mesh / (x_mesh + delta)).astype(np.float32)
    idx = np.searchsorted(x_mesh, doublet).astype(np.int64) - 1
    idx = np.clip(idx, 0, _N - 2)
    t = (doublet - x_mesh[idx]).astype(np.float32)
    scale = np.float32(1.0 - _KA1_MULT)
    gi = np.stack([idx, idx + 1]).astype(np.int32)
    wf = np.stack([(1.0 - t) * scale, t * scale]).astype(np.float32)
    return gi, wf


_GI, _WF = _interp_tables()


def _sc_interp():
    mesh = plsc.VectorSubcoreMesh(core_axis_name="c", subcore_axis_name="s")

    @functools.partial(
        pl.kernel,
        mesh=mesh,
        compiler_params=pltpu.CompilerParams(needs_layout_passes=False),
        out_type=jax.ShapeDtypeStruct((_N, 128), jnp.float32),
        scratch_types=[
            pltpu.VMEM((_N,), jnp.float32),
            pltpu.VMEM((2, _N), jnp.int32),
            pltpu.VMEM((2, _N), jnp.float32),
            pltpu.VMEM((_N,), jnp.float32),
            pltpu.VMEM((_N, 128), jnp.float32),
        ],
    )
    def k(y0_hbm, gi_hbm, wf_hbm, d_hbm, y0_v, gi_v, wf_v, d_v, ds_v):
        wid = lax.axis_index("s") * 2 + lax.axis_index("c")

        @pl.when(wid == 0)
        def _():
            pltpu.sync_copy(y0_hbm, y0_v)
            pltpu.sync_copy(gi_hbm, gi_v)
            pltpu.sync_copy(wf_hbm, wf_v)
            for kk in range(_N // 16):
                sl = pl.ds(kk * 16, 16)
                v0 = plsc.load_gather(y0_v, [gi_v[0, sl]])
                v1 = plsc.load_gather(y0_v, [gi_v[1, sl]])
                d_v[sl] = wf_v[0, sl] * v0 + wf_v[1, sl] * v1

            def fill(r, _):
                dbc = plsc.load_gather(d_v, [jnp.full((16,), r, jnp.int32)])
                for j in range(8):
                    ds_v[r, pl.ds(j * 16, 16)] = dbc
                return 0

            lax.fori_loop(0, _N, fill, 0)
            pltpu.sync_copy(ds_v, d_hbm)

    return k


def _tc_body(d_ref, yt_ref, out_ref):
    out_ref[...] = yt_ref[...] * _KA1_MULT + d_ref[:, 0:1]


@jax.jit
def _run(y, gi, wf):
    d_blk = _sc_interp()(y[0], gi, wf)
    yt = y.T
    grid = _ROWS // _BLOCK_COLS
    out_t = pl.pallas_call(
        _tc_body,
        grid=(grid,),
        in_specs=[
            pl.BlockSpec((_N, 128), lambda i: (0, 0)),
            pl.BlockSpec((_N, _BLOCK_COLS), lambda i: (0, i)),
        ],
        out_specs=pl.BlockSpec((_N, _BLOCK_COLS), lambda i: (0, i)),
        out_shape=jax.ShapeDtypeStruct((_N, _ROWS), jnp.float32),
        compiler_params=pltpu.CompilerParams(
            dimension_semantics=("parallel",)),
    )(d_blk, yt)
    return out_t.T


def kernel(y, weight):
    del weight
    return _run(y, _GI, _WF)

# --- scband reference (transcript-rebuilt; emitter-appended) ---
"""Pipeline reference for scband-lambda-conv-69887707840761 (READ-ONLY COPY).

The authoritative reference and input builder live on the scoring server;
editing this copy changes nothing except your own understanding.
"""

import jax, jax.numpy as jnp
import numpy as np

CUKA1 = 1.540598
CUKA2 = 1.544426
KA1_MULT = 0.5771816010184
LAMBDA_INIT_WEIGHT_SCALE = 0.01

# x_mesh from init_kwargs: integers 5..164 inclusive (160 points)
X_MESH = jnp.arange(5.0, 165.0, 1.0, dtype=jnp.float32)

def _delta_twoth(lambda_, twoth, ka1):
    return 2.0 * jnp.rad2deg(jnp.arcsin(lambda_ * jnp.sin(jnp.deg2rad(0.5 * twoth)) / ka1)) - twoth

DELTA_KA2 = _delta_twoth(CUKA2, X_MESH, CUKA1)
DOUBLET_MESH = X_MESH * X_MESH / (X_MESH + DELTA_KA2)

def _interp(x, xp, fp):
    # mirrors torch: idxs = searchsorted(xp, x) - 1, clamped to [0, len(xp)-2]
    x = x.astype(jnp.float32)
    xp = xp.astype(jnp.float32)
    fp = fp.astype(jnp.float32)
    idxs = jnp.searchsorted(xp, x) - 1
    idxs = jnp.clip(idxs, 0, xp.shape[0] - 2)
    slopes = (fp[1:] - fp[:-1]) / (xp[1:] - xp[:-1])
    return fp[idxs] + slopes[idxs] * (x - xp[idxs])

def setup_inputs(seed: int = 0) -> dict:
    key = jax.random.key(seed)
    k1, k2 = jax.random.split(key)
    y = jax.random.normal(k1, (32768, 160), dtype=jnp.float32)
    # learned parameter from __init__ (unused in forward, kept for fidelity)
    weight = jax.random.normal(k2, (16,), dtype=jnp.float32) * LAMBDA_INIT_WEIGHT_SCALE
    return {"y": y, "weight": weight}

def reference(y, weight):
    prof = jnp.zeros(y.shape, dtype=jnp.float32)
    prof = prof + y * KA1_MULT
    doublet_int = _interp(DOUBLET_MESH, X_MESH, y[0])
    prof = prof + doublet_int * (1.0 - KA1_MULT)
    return prof

if __name__ == "__main__":
    import jax
    _d = setup_inputs()
    print(jax.jit(kernel)(*tuple(_d.values())))

</pallas_src>

<mosaic_0001>
#map = affine_map<(d0, d1) -> (0)>
#map1 = affine_map<(d0, d1) -> (0, 0)>
module attributes {stable_mosaic.version = 14 : i64} {
  func.func @k(%arg0: i32, %arg1: i32, %arg2: memref<160xf32, #tpu.memory_space<hbm>>, %arg3: memref<2x160xi32, #tpu.memory_space<hbm>>, %arg4: memref<2x160xf32, #tpu.memory_space<hbm>>, %arg5: memref<160x128xf32, #tpu.memory_space<hbm>>, %arg6: memref<160xf32, #tpu.memory_space<vmem>>, %arg7: memref<2x160xi32, #tpu.memory_space<vmem>>, %arg8: memref<2x160xf32, #tpu.memory_space<vmem>>, %arg9: memref<160xf32, #tpu.memory_space<vmem>>, %arg10: memref<160x128xf32, #tpu.memory_space<vmem>>) attributes {dimension_semantics = [#tpu.dimension_semantics<core_parallel>, #tpu.dimension_semantics<subcore_parallel>], iteration_bounds = array<i64: 2, 16>, scalar_prefetch = 0 : i64, scratch_operands = 5 : i64, tpu.core_type = #tpu.core_type<sc_vector_subcore>, window_params = [{transform_indices = #map}, {transform_indices = #map1}, {transform_indices = #map1}, {transform_indices = #map1}]} {
    %mul3A = arith.constant 2 : i32
    %mul3A_0 = arith.muli %arg1, %mul3A : i32
    %add3A = arith.addi %mul3A_0, %arg0 : i32
    %eq3A = arith.constant 0 : i32
    %eq3A_1 = arith.cmpi eq, %add3A, %eq3A : i32
    %convert_element_type3A = arith.extui %eq3A_1 : i1 to i32
    %cond3A = arith.constant 0 : i32
    %cond3A_2 = arith.cmpi ne, %convert_element_type3A, %cond3A : i32
    scf.if %cond3A_2 {
      "tpu.region"() ({
        %run_scoped3A = tpu.sem_alloc : memref<!tpu.dma_semaphore, #tpu.memory_space<semaphore_mem>>
        tpu.enqueue_dma source(%arg2 : memref<160xf32, #tpu.memory_space<hbm>>) target(%arg6 : memref<160xf32, #tpu.memory_space<vmem>>) target_semaphore(%run_scoped3A : memref<!tpu.dma_semaphore, #tpu.memory_space<semaphore_mem>>)
        tpu.wait_dma2 semaphore(%run_scoped3A : memref<!tpu.dma_semaphore, #tpu.memory_space<semaphore_mem>>) src(%arg2 : memref<160xf32, #tpu.memory_space<hbm>>) dst(%arg6 : memref<160xf32, #tpu.memory_space<vmem>>)
        tpu.yield
      }) : () -> ()
      "tpu.region"() ({
        %run_scoped3A = tpu.sem_alloc : memref<!tpu.dma_semaphore, #tpu.memory_space<semaphore_mem>>
        tpu.enqueue_dma source(%arg3 : memref<2x160xi32, #tpu.memory_space<hbm>>) target(%arg7 : memref<2x160xi32, #tpu.memory_space<vmem>>) target_semaphore(%run_scoped3A : memref<!tpu.dma_semaphore, #tpu.memory_space<semaphore_mem>>)
        tpu.wait_dma2 semaphore(%run_scoped3A : memref<!tpu.dma_semaphore, #tpu.memory_space<semaphore_mem>>) src(%arg3 : memref<2x160xi32, #tpu.memory_space<hbm>>) dst(%arg7 : memref<2x160xi32, #tpu.memory_space<vmem>>)
        tpu.yield
      }) : () -> ()
      "tpu.region"() ({
        %run_scoped3A = tpu.sem_alloc : memref<!tpu.dma_semaphore, #tpu.memory_space<semaphore_mem>>
        tpu.enqueue_dma source(%arg4 : memref<2x160xf32, #tpu.memory_space<hbm>>) target(%arg8 : memref<2x160xf32, #tpu.memory_space<vmem>>) target_semaphore(%run_scoped3A : memref<!tpu.dma_semaphore, #tpu.memory_space<semaphore_mem>>)
        tpu.wait_dma2 semaphore(%run_scoped3A : memref<!tpu.dma_semaphore, #tpu.memory_space<semaphore_mem>>) src(%arg4 : memref<2x160xf32, #tpu.memory_space<hbm>>) dst(%arg8 : memref<2x160xf32, #tpu.memory_space<vmem>>)
        tpu.yield
      }) : () -> ()
      %get3A = arith.constant 0 : i32
      %get3A_3 = arith.index_cast %get3A : i32 to index
      %get3A_4 = arith.constant 0 : index
      %get3A_5 = tpu.vector_load %arg7[%get3A_3, %get3A_4] {strides = array<i32>} : memref<2x160xi32, #tpu.memory_space<vmem>>, vector<16xi32>,
      %gather3A = tpu.vector_load_idx %arg6[%get3A_5] : memref<160xf32, #tpu.memory_space<vmem>>[vector<16xi32>], vector<16xf32>,
      %get3A_6 = arith.constant 1 : i32
      %get3A_7 = arith.index_cast %get3A_6 : i32 to index
      %get3A_8 = arith.constant 0 : index
      %get3A_9 = tpu.vector_load %arg7[%get3A_7, %get3A_8] {strides = array<i32>} : memref<2x160xi32, #tpu.memory_space<vmem>>, vector<16xi32>,
      %gather3A_10 = tpu.vector_load_idx %arg6[%get3A_9] : memref<160xf32, #tpu.memory_space<vmem>>[vector<16xi32>], vector<16xf32>,
      %get3A_11 = arith.constant 0 : i32
      %get3A_12 = arith.index_cast %get3A_11 : i32 to index
      %get3A_13 = arith.constant 0 : index
      %get3A_14 = tpu.vector_load %arg8[%get3A_12, %get3A_13] {strides = array<i32>} : memref<2x160xf32, #tpu.memory_space<vmem>>, vector<16xf32>,
      %mul3A_15 = arith.mulf %get3A_14, %gather3A : vector<16xf32>
      %get3A_16 = arith.constant 1 : i32
      %get3A_17 = arith.index_cast %get3A_16 : i32 to index
      %get3A_18 = arith.constant 0 : index
      %get3A_19 = tpu.vector_load %arg8[%get3A_17, %get3A_18] {strides = array<i32>} : memref<2x160xf32, #tpu.memory_space<vmem>>, vector<16xf32>,
      %mul3A_20 = arith.mulf %get3A_19, %gather3A_10 : vector<16xf32>
      %add3A_21 = arith.addf %mul3A_15, %mul3A_20 : vector<16xf32>
      %swap3A = arith.constant 0 : index
      %swap3A_22 = tpu.vector_load %arg9[%swap3A] {strides = array<i32>} : memref<160xf32, #tpu.memory_space<vmem>>, vector<16xf32>,
      tpu.vector_store %arg9[%swap3A], %add3A_21 {strides = array<i32>} : memref<160xf32, #tpu.memory_space<vmem>>, vector<16xf32>,
      %get3A_23 = arith.constant 0 : i32
      %get3A_24 = arith.index_cast %get3A_23 : i32 to index
      %get3A_25 = arith.constant 16 : index
      %get3A_26 = tpu.vector_load %arg7[%get3A_24, %get3A_25] {strides = array<i32>} : memref<2x160xi32, #tpu.memory_space<vmem>>, vector<16xi32>,
      %gather3A_27 = tpu.vector_load_idx %arg6[%get3A_26] : memref<160xf32, #tpu.memory_space<vmem>>[vector<16xi32>], vector<16xf32>,
      %get3A_28 = arith.constant 1 : i32
      %get3A_29 = arith.index_cast %get3A_28 : i32 to index
      %get3A_30 = arith.constant 16 : index
      %get3A_31 = tpu.vector_load %arg7[%get3A_29, %get3A_30] {strides = array<i32>} : memref<2x160xi32, #tpu.memory_space<vmem>>, vector<16xi32>,
      %gather3A_32 = tpu.vector_load_idx %arg6[%get3A_31] : memref<160xf32, #tpu.memory_space<vmem>>[vector<16xi32>], vector<16xf32>,
      %get3A_33 = arith.constant 0 : i32
      %get3A_34 = arith.index_cast %get3A_33 : i32 to index
      %get3A_35 = arith.constant 16 : index
      %get3A_36 = tpu.vector_load %arg8[%get3A_34, %get3A_35] {strides = array<i32>} : memref<2x160xf32, #tpu.memory_space<vmem>>, vector<16xf32>,
      %mul3A_37 = arith.mulf %get3A_36, %gather3A_27 : vector<16xf32>
      %get3A_38 = arith.constant 1 : i32
      %get3A_39 = arith.index_cast %get3A_38 : i32 to index
      %get3A_40 = arith.constant 16 : index
      %get3A_41 = tpu.vector_load %arg8[%get3A_39, %get3A_40] {strides = array<i32>} : memref<2x160xf32, #tpu.memory_space<vmem>>, vector<16xf32>,
      %mul3A_42 = arith.mulf %get3A_41, %gather3A_32 : vector<16xf32>
      %add3A_43 = arith.addf %mul3A_37, %mul3A_42 : vector<16xf32>
      %swap3A_44 = arith.constant 16 : index
      %swap3A_45 = tpu.vector_load %arg9[%swap3A_44] {strides = array<i32>} : memref<160xf32, #tpu.memory_space<vmem>>, vector<16xf32>,
      tpu.vector_store %arg9[%swap3A_44], %add3A_43 {strides = array<i32>} : memref<160xf32, #tpu.memory_space<vmem>>, vector<16xf32>,
      %get3A_46 = arith.constant 0 : i32
      %get3A_47 = arith.index_cast %get3A_46 : i32 to index
      %get3A_48 = arith.constant 32 : index
      %get3A_49 = tpu.vector_load %arg7[%get3A_47, %get3A_48] {strides = array<i32>} : memref<2x160xi32, #tpu.memory_space<vmem>>, vector<16xi32>,
      %gather3A_50 = tpu.vector_load_idx %arg6[%get3A_49] : memref<160xf32, #tpu.memory_space<vmem>>[vector<16xi32>], vector<16xf32>,
      %get3A_51 = arith.constant 1 : i32
      %get3A_52 = arith.index_cast %get3A_51 : i32 to index
      %get3A_53 = arith.constant 32 : index
      %get3A_54 = tpu.vector_load %arg7[%get3A_52, %get3A_53] {strides = array<i32>} : memref<2x160xi32, #tpu.memory_space<vmem>>, vector<16xi32>,
      %gather3A_55 = tpu.vector_load_idx %arg6[%get3A_54] : memref<160xf32, #tpu.memory_space<vmem>>[vector<16xi32>], vector<16xf32>,
      %get3A_56 = arith.constant 0 : i32
      %get3A_57 = arith.index_cast %get3A_56 : i32 to index
      %get3A_58 = arith.constant 32 : index
      %get3A_59 = tpu.vector_load %arg8[%get3A_57, %get3A_58] {strides = array<i32>} : memref<2x160xf32, #tpu.memory_space<vmem>>, vector<16xf32>,
      %mul3A_60 = arith.mulf %get3A_59, %gather3A_50 : vector<16xf32>
      %get3A_61 = arith.constant 1 : i32
      %get3A_62 = arith.index_cast %get3A_61 : i32 to index
      %get3A_63 = arith.constant 32 : index
      %get3A_64 = tpu.vector_load %arg8[%get3A_62, %get3A_63] {strides = array<i32>} : memref<2x160xf32, #tpu.memory_space<vmem>>, vector<16xf32>,
      %mul3A_65 = arith.mulf %get3A_64, %gather3A_55 : vector<16xf32>
      %add3A_66 = arith.addf %mul3A_60, %mul3A_65 : vector<16xf32>
      %swap3A_67 = arith.constant 32 : index
      %swap3A_68 = tpu.vector_load %arg9[%swap3A_67] {strides = array<i32>} : memref<160xf32, #tpu.memory_space<vmem>>, vector<16xf32>,
      tpu.vector_store %arg9[%swap3A_67], %add3A_66 {strides = array<i32>} : memref<160xf32, #tpu.memory_space<vmem>>, vector<16xf32>,
      %get3A_69 = arith.constant 0 : i32
      %get3A_70 = arith.index_cast %get3A_69 : i32 to index
      %get3A_71 = arith.constant 48 : index
      %get3A_72 = tpu.vector_load %arg7[%get3A_70, %get3A_71] {strides = array<i32>} : memref<2x160xi32, #tpu.memory_space<vmem>>, vector<16xi32>,
      %gather3A_73 = tpu.vector_load_idx %arg6[%get3A_72] : memref<160xf32, #tpu.memory_space<vmem>>[vector<16xi32>], vector<16xf32>,
      %get3A_74 = arith.constant 1 : i32
      %get3A_75 = arith.index_cast %get3A_74 : i32 to index
      %get3A_76 = arith.constant 48 : index
      %get3A_77 = tpu.vector_load %arg7[%get3A_75, %get3A_76] {strides = array<i32>} : memref<2x160xi32, #tpu.memory_space<vmem>>, vector<16xi32>,
      %gather3A_78 = tpu.vector_load_idx %arg6[%get3A_77] : memref<160xf32, #tpu.memory_space<vmem>>[vector<16xi32>], vector<16xf32>,
      %get3A_79 = arith.constant 0 : i32
      %get3A_80 = arith.index_cast %get3A_79 : i32 to index
      %get3A_81 = arith.constant 48 : index
      %get3A_82 = tpu.vector_load %arg8[%get3A_80, %get3A_81] {strides = array<i32>} : memref<2x160xf32, #tpu.memory_space<vmem>>, vector<16xf32>,
      %mul3A_83 = arith.mulf %get3A_82, %gather3A_73 : vector<16xf32>
      %get3A_84 = arith.constant 1 : i32
      %get3A_85 = arith.index_cast %get3A_84 : i32 to index
      %get3A_86 = arith.constant 48 : index
      %get3A_87 = tpu.vector_load %arg8[%get3A_85, %get3A_86] {strides = array<i32>} : memref<2x160xf32, #tpu.memory_space<vmem>>, vector<16xf32>,
      %mul3A_88 = arith.mulf %get3A_87, %gather3A_78 : vector<16xf32>
      %add3A_89 = arith.addf %mul3A_83, %mul3A_88 : vector<16xf32>
      %swap3A_90 = arith.constant 48 : index
      %swap3A_91 = tpu.vector_load %arg9[%swap3A_90] {strides = array<i32>} : memref<160xf32, #tpu.memory_space<vmem>>, vector<16xf32>,
      tpu.vector_store %arg9[%swap3A_90], %add3A_89 {strides = array<i32>} : memref<160xf32, #tpu.memory_space<vmem>>, vector<16xf32>,
      %get3A_92 = arith.constant 0 : i32
      %get3A_93 = arith.index_cast %get3A_92 : i32 to index
      %get3A_94 = arith.constant 64 : index
      %get3A_95 = tpu.vector_load %arg7[%get3A_93, %get3A_94] {strides = array<i32>} : memref<2x160xi32, #tpu.memory_space<vmem>>, vector<16xi32>,
      %gather3A_96 = tpu.vector_load_idx %arg6[%get3A_95] : memref<160xf32, #tpu.memory_space<vmem>>[vector<16xi32>], vector<16xf32>,
      %get3A_97 = arith.constant 1 : i32
      %get3A_98 = arith.index_cast %get3A_97 : i32 to index
      %get3A_99 = arith.constant 64 : index
      %get3A_100 = tpu.vector_load %arg7[%get3A_98, %get3A_99] {strides = array<i32>} : memref<2x160xi32, #tpu.memory_space<vmem>>, vector<16xi32>,
      %gather3A_101 = tpu.vector_load_idx %arg6[%get3A_100] : memref<160xf32, #tpu.memory_space<vmem>>[vector<16xi32>], vector<16xf32>,
      %get3A_102 = arith.constant 0 : i32
      %get3A_103 = arith.index_cast %get3A_102 : i32 to index
      %get3A_104 = arith.constant 64 : index
      %get3A_105 = tpu.vector_load %arg8[%get3A_103, %get3A_104] {strides = array<i32>} : memref<2x160xf32, #tpu.memory_space<vmem>>, vector<16xf32>,
      %mul3A_106 = arith.mulf %get3A_105, %gather3A_96 : vector<16xf32>
      %get3A_107 = arith.constant 1 : i32
      %get3A_108 = arith.index_cast %get3A_107 : i32 to index
      %get3A_109 = arith.constant 64 : index
      %get3A_110 = tpu.vector_load %arg8[%get3A_108, %get3A_109] {strides = array<i32>} : memref<2x160xf32, #tpu.memory_space<vmem>>, vector<16xf32>,
      %mul3A_111 = arith.mulf %get3A_110, %gather3A_101 : vector<16xf32>
      %add3A_112 = arith.addf %mul3A_106, %mul3A_111 : vector<16xf32>
      %swap3A_113 = arith.constant 64 : index
      %swap3A_114 = tpu.vector_load %arg9[%swap3A_113] {strides = array<i32>} : memref<160xf32, #tpu.memory_space<vmem>>, vector<16xf32>,
      tpu.vector_store %arg9[%swap3A_113], %add3A_112 {strides = array<i32>} : memref<160xf32, #tpu.memory_space<vmem>>, vector<16xf32>,
      %get3A_115 = arith.constant 0 : i32
      %get3A_116 = arith.index_cast %get3A_115 : i32 to index
      %get3A_117 = arith.constant 80 : index
      %get3A_118 = tpu.vector_load %arg7[%get3A_116, %get3A_117] {strides = array<i32>} : memref<2x160xi32, #tpu.memory_space<vmem>>, vector<16xi32>,
      %gather3A_119 = tpu.vector_load_idx %arg6[%get3A_118] : memref<160xf32, #tpu.memory_space<vmem>>[vector<16xi32>], vector<16xf32>,
      %get3A_120 = arith.constant 1 : i32
      %get3A_121 = arith.index_cast %get3A_120 : i32 to index
      %get3A_122 = arith.constant 80 : index
      %get3A_123 = tpu.vector_load %arg7[%get3A_121, %get3A_122] {strides = array<i32>} : memref<2x160xi32, #tpu.memory_space<vmem>>, vector<16xi32>,
      %gather3A_124 = tpu.vector_load_idx %arg6[%get3A_123] : memref<160xf32, #tpu.memory_space<vmem>>[vector<16xi32>], vector<16xf32>,
      %get3A_125 = arith.constant 0 : i32
      %get3A_126 = arith.index_cast %get3A_125 : i32 to index
      %get3A_127 = arith.constant 80 : index
      %get3A_128 = tpu.vector_load %arg8[%get3A_126, %get3A_127] {strides = array<i32>} : memref<2x160xf32, #tpu.memory_space<vmem>>, vector<16xf32>,
      %mul3A_129 = arith.mulf %get3A_128, %gather3A_119 : vector<16xf32>
      %get3A_130 = arith.constant 1 : i32
      %get3A_131 = arith.index_cast %get3A_130 : i32 to index
      %get3A_132 = arith.constant 80 : index
      %get3A_133 = tpu.vector_load %arg8[%get3A_131, %get3A_132] {strides = array<i32>} : memref<2x160xf32, #tpu.memory_space<vmem>>, vector<16xf32>,
      %mul3A_134 = arith.mulf %get3A_133, %gather3A_124 : vector<16xf32>
      %add3A_135 = arith.addf %mul3A_129, %mul3A_134 : vector<16xf32>
      %swap3A_136 = arith.constant 80 : index
      %swap3A_137 = tpu.vector_load %arg9[%swap3A_136] {strides = array<i32>} : memref<160xf32, #tpu.memory_space<vmem>>, vector<16xf32>,
      tpu.vector_store %arg9[%swap3A_136], %add3A_135 {strides = array<i32>} : memref<160xf32, #tpu.memory_space<vmem>>, vector<16xf32>,
      %get3A_138 = arith.constant 0 : i32
      %get3A_139 = arith.index_cast %get3A_138 : i32 to index
      %get3A_140 = arith.constant 96 : index
      %get3A_141 = tpu.vector_load %arg7[%get3A_139, %get3A_140] {strides = array<i32>} : memref<2x160xi32, #tpu.memory_space<vmem>>, vector<16xi32>,
      %gather3A_142 = tpu.vector_load_idx %arg6[%get3A_141] : memref<160xf32, #tpu.memory_space<vmem>>[vector<16xi32>], vector<16xf32>,
      %get3A_143 = arith.constant 1 : i32
      %get3A_144 = arith.index_cast %get3A_143 : i32 to index
      %get3A_145 = arith.constant 96 : index
      %get3A_146 = tpu.vector_load %arg7[%get3A_144, %get3A_145] {strides = array<i32>} : memref<2x160xi32, #tpu.memory_space<vmem>>, vector<16xi32>,
      %gather3A_147 = tpu.vector_load_idx %arg6[%get3A_146] : memref<160xf32, #tpu.memory_space<vmem>>[vector<16xi32>], vector<16xf32>,
      %get3A_148 = arith.constant 0 : i32
      %get3A_149 = arith.index_cast %get3A_148 : i32 to index
      %get3A_150 = arith.constant 96 : index
      %get3A_151 = tpu.vector_load %arg8[%get3A_149, %get3A_150] {strides = array<i32>} : memref<2x160xf32, #tpu.memory_space<vmem>>, vector<16xf32>,
      %mul3A_152 = arith.mulf %get3A_151, %gather3A_142 : vector<16xf32>
      %get3A_153 = arith.constant 1 : i32
      %get3A_154 = arith.index_cast %get3A_153 : i32 to index
      %get3A_155 = arith.constant 96 : index
      %get3A_156 = tpu.vector_load %arg8[%get3A_154, %get3A_155] {strides = array<i32>} : memref<2x160xf32, #tpu.memory_space<vmem>>, vector<16xf32>,
      %mul3A_157 = arith.mulf %get3A_156, %gather3A_147 : vector<16xf32>
      %add3A_158 = arith.addf %mul3A_152, %mul3A_157 : vector<16xf32>
      %swap3A_159 = arith.constant 96 : index
      %swap3A_160 = tpu.vector_load %arg9[%swap3A_159] {strides = array<i32>} : memref<160xf32, #tpu.memory_space<vmem>>, vector<16xf32>,
      tpu.vector_store %arg9[%swap3A_159], %add3A_158 {strides = array<i32>} : memref<160xf32, #tpu.memory_space<vmem>>, vector<16xf32>,
      %get3A_161 = arith.constant 0 : i32
      %get3A_162 = arith.index_cast %get3A_161 : i32 to index
      %get3A_163 = arith.constant 112 : index
      %get3A_164 = tpu.vector_load %arg7[%get3A_162, %get3A_163] {strides = array<i32>} : memref<2x160xi32, #tpu.memory_space<vmem>>, vector<16xi32>,
      %gather3A_165 = tpu.vector_load_idx %arg6[%get3A_164] : memref<160xf32, #tpu.memory_space<vmem>>[vector<16xi32>], vector<16xf32>,
      %get3A_166 = arith.constant 1 : i32
      %get3A_167 = arith.index_cast %get3A_166 : i32 to index
      %get3A_168 = arith.constant 112 : index
      %get3A_169 = tpu.vector_load %arg7[%get3A_167, %get3A_168] {strides = array<i32>} : memref<2x160xi32, #tpu.memory_space<vmem>>, vector<16xi32>,
      %gather3A_170 = tpu.vector_load_idx %arg6[%get3A_169] : memref<160xf32, #tpu.memory_space<vmem>>[vector<16xi32>], vector<16xf32>,
      %get3A_171 = arith.constant 0 : i32
      %get3A_172 = arith.index_cast %get3A_171 : i32 to index
      %get3A_173 = arith.constant 112 : index
      %get3A_174 = tpu.vector_load %arg8[%get3A_172, %get3A_173] {strides = array<i32>} : memref<2x160xf32, #tpu.memory_space<vmem>>, vector<16xf32>,
      %mul3A_175 = arith.mulf %get3A_174, %gather3A_165 : vector<16xf32>
      %get3A_176 = arith.constant 1 : i32
      %get3A_177 = arith.index_cast %get3A_176 : i32 to index
      %get3A_178 = arith.constant 112 : index
      %get3A_179 = tpu.vector_load %arg8[%get3A_177, %get3A_178] {strides = array<i32>} : memref<2x160xf32, #tpu.memory_space<vmem>>, vector<16xf32>,
      %mul3A_180 = arith.mulf %get3A_179, %gather3A_170 : vector<16xf32>
      %add3A_181 = arith.addf %mul3A_175, %mul3A_180 : vector<16xf32>
      %swap3A_182 = arith.constant 112 : index
      %swap3A_183 = tpu.vector_load %arg9[%swap3A_182] {strides = array<i32>} : memref<160xf32, #tpu.memory_space<vmem>>, vector<16xf32>,
      tpu.vector_store %arg9[%swap3A_182], %add3A_181 {strides = array<i32>} : memref<160xf32, #tpu.memory_space<vmem>>, vector<16xf32>,
      %get3A_184 = arith.constant 0 : i32
      %get3A_185 = arith.index_cast %get3A_184 : i32 to index
      %get3A_186 = arith.constant 128 : index
      %get3A_187 = tpu.vector_load %arg7[%get3A_185, %get3A_186] {strides = array<i32>} : memref<2x160xi32, #tpu.memory_space<vmem>>, vector<16xi32>,
      %gather3A_188 = tpu.vector_load_idx %arg6[%get3A_187] : memref<160xf32, #tpu.memory_space<vmem>>[vector<16xi32>], vector<16xf32>,
      %get3A_189 = arith.constant 1 : i32
      %get3A_190 = arith.index_cast %get3A_189 : i32 to index
      %get3A_191 = arith.constant 128 : index
      %get3A_192 = tpu.vector_load %arg7[%get3A_190, %get3A_191] {strides = array<i32>} : memref<2x160xi32, #tpu.memory_space<vmem>>, vector<16xi32>,
      %gather3A_193 = tpu.vector_load_idx %arg6[%get3A_192] : memref<160xf32, #tpu.memory_space<vmem>>[vector<16xi32>], vector<16xf32>,
      %get3A_194 = arith.constant 0 : i32
      %get3A_195 = arith.index_cast %get3A_194 : i32 to index
      %get3A_196 = arith.constant 128 : index
      %get3A_197 = tpu.vector_load %arg8[%get3A_195, %get3A_196] {strides = array<i32>} : memref<2x160xf32, #tpu.memory_space<vmem>>, vector<16xf32>,
      %mul3A_198 = arith.mulf %get3A_197, %gather3A_188 : vector<16xf32>
      %get3A_199 = arith.constant 1 : i32
      %get3A_200 = arith.index_cast %get3A_199 : i32 to index
      %get3A_201 = arith.constant 128 : index
      %get3A_202 = tpu.vector_load %arg8[%get3A_200, %get3A_201] {strides = array<i32>} : memref<2x160xf32, #tpu.memory_space<vmem>>, vector<16xf32>,
      %mul3A_203 = arith.mulf %get3A_202, %gather3A_193 : vector<16xf32>
      %add3A_204 = arith.addf %mul3A_198, %mul3A_203 : vector<16xf32>
      %swap3A_205 = arith.constant 128 : index
      %swap3A_206 = tpu.vector_load %arg9[%swap3A_205] {strides = array<i32>} : memref<160xf32, #tpu.memory_space<vmem>>, vector<16xf32>,
      tpu.vector_store %arg9[%swap3A_205], %add3A_204 {strides = array<i32>} : memref<160xf32, #tpu.memory_space<vmem>>, vector<16xf32>,
      %get3A_207 = arith.constant 0 : i32
      %get3A_208 = arith.index_cast %get3A_207 : i32 to index
      %get3A_209 = arith.constant 144 : index
      %get3A_210 = tpu.vector_load %arg7[%get3A_208, %get3A_209] {strides = array<i32>} : memref<2x160xi32, #tpu.memory_space<vmem>>, vector<16xi32>,
      %gather3A_211 = tpu.vector_load_idx %arg6[%get3A_210] : memref<160xf32, #tpu.memory_space<vmem>>[vector<16xi32>], vector<16xf32>,
      %get3A_212 = arith.constant 1 : i32
      %get3A_213 = arith.index_cast %get3A_212 : i32 to index
      %get3A_214 = arith.constant 144 : index
      %get3A_215 = tpu.vector_load %arg7[%get3A_213, %get3A_214] {strides = array<i32>} : memref<2x160xi32, #tpu.memory_space<vmem>>, vector<16xi32>,
      %gather3A_216 = tpu.vector_load_idx %arg6[%get3A_215] : memref<160xf32, #tpu.memory_space<vmem>>[vector<16xi32>], vector<16xf32>,
      %get3A_217 = arith.constant 0 : i32
      %get3A_218 = arith.index_cast %get3A_217 : i32 to index
      %get3A_219 = arith.constant 144 : index
      %get3A_220 = tpu.vector_load %arg8[%get3A_218, %get3A_219] {strides = array<i32>} : memref<2x160xf32, #tpu.memory_space<vmem>>, vector<16xf32>,
      %mul3A_221 = arith.mulf %get3A_220, %gather3A_211 : vector<16xf32>
      %get3A_222 = arith.constant 1 : i32
      %get3A_223 = arith.index_cast %get3A_222 : i32 to index
      %get3A_224 = arith.constant 144 : index
      %get3A_225 = tpu.vector_load %arg8[%get3A_223, %get3A_224] {strides = array<i32>} : memref<2x160xf32, #tpu.memory_space<vmem>>, vector<16xf32>,
      %mul3A_226 = arith.mulf %get3A_225, %gather3A_216 : vector<16xf32>
      %add3A_227 = arith.addf %mul3A_221, %mul3A_226 : vector<16xf32>
      %swap3A_228 = arith.constant 144 : index
      %swap3A_229 = tpu.vector_load %arg9[%swap3A_228] {strides = array<i32>} : memref<160xf32, #tpu.memory_space<vmem>>, vector<16xf32>,
      tpu.vector_store %arg9[%swap3A_228], %add3A_227 {strides = array<i32>} : memref<160xf32, #tpu.memory_space<vmem>>, vector<16xf32>,
      %scan3A = arith.constant 0 : i32
      %scan3A_230 = arith.constant 0 : i32
      %scan3A_231 = arith.constant 160 : i32
      %scan3A_232 = arith.addi %scan3A_230, %scan3A_231 : i32
      %scan3A_233 = arith.constant 1 : i32
      %scan3A_234 = scf.for %scan3A_236 = %scan3A_230 to %scan3A_232 step %scan3A_233 iter_args(%scan3A_237 = %scan3A) -> (i32)  : i32 {
        %broadcast_in_dim3A = vector.broadcast %scan3A_236 : i32 to vector<16xi32>
        %gather3A_238 = tpu.vector_load_idx %arg9[%broadcast_in_dim3A] : memref<160xf32, #tpu.memory_space<vmem>>[vector<16xi32>], vector<16xf32>,
        %swap3A_239 = arith.index_cast %scan3A_236 : i32 to index
        %swap3A_240 = arith.constant 0 : index
        %swap3A_241 = tpu.vector_load %arg10[%swap3A_239, %swap3A_240] {strides = array<i32>} : memref<160x128xf32, #tpu.memory_space<vmem>>, vector<16xf32>,
        tpu.vector_store %arg10[%swap3A_239, %swap3A_240], %gather3A_238 {strides = array<i32>} : memref<160x128xf32, #tpu.memory_space<vmem>>, vector<16xf32>,
        %swap3A_242 = arith.index_cast %scan3A_236 : i32 to index
        %swap3A_243 = arith.constant 16 : index
        %swap3A_244 = tpu.vector_load %arg10[%swap3A_242, %swap3A_243] {strides = array<i32>} : memref<160x128xf32, #tpu.memory_space<vmem>>, vector<16xf32>,
        tpu.vector_store %arg10[%swap3A_242, %swap3A_243], %gather3A_238 {strides = array<i32>} : memref<160x128xf32, #tpu.memory_space<vmem>>, vector<16xf32>,
        %swap3A_245 = arith.index_cast %scan3A_236 : i32 to index
        %swap3A_246 = arith.constant 32 : index
        %swap3A_247 = tpu.vector_load %arg10[%swap3A_245, %swap3A_246] {strides = array<i32>} : memref<160x128xf32, #tpu.memory_space<vmem>>, vector<16xf32>,
        tpu.vector_store %arg10[%swap3A_245, %swap3A_246], %gather3A_238 {strides = array<i32>} : memref<160x128xf32, #tpu.memory_space<vmem>>, vector<16xf32>,
        %swap3A_248 = arith.index_cast %scan3A_236 : i32 to index
        %swap3A_249 = arith.constant 48 : index
        %swap3A_250 = tpu.vector_load %arg10[%swap3A_248, %swap3A_249] {strides = array<i32>} : memref<160x128xf32, #tpu.memory_space<vmem>>, vector<16xf32>,
        tpu.vector_store %arg10[%swap3A_248, %swap3A_249], %gather3A_238 {strides = array<i32>} : memref<160x128xf32, #tpu.memory_space<vmem>>, vector<16xf32>,
        %swap3A_251 = arith.index_cast %scan3A_236 : i32 to index
        %swap3A_252 = arith.constant 64 : index
        %swap3A_253 = tpu.vector_load %arg10[%swap3A_251, %swap3A_252] {strides = array<i32>} : memref<160x128xf32, #tpu.memory_space<vmem>>, vector<16xf32>,
        tpu.vector_store %arg10[%swap3A_251, %swap3A_252], %gather3A_238 {strides = array<i32>} : memref<160x128xf32, #tpu.memory_space<vmem>>, vector<16xf32>,
        %swap3A_254 = arith.index_cast %scan3A_236 : i32 to index
        %swap3A_255 = arith.constant 80 : index
        %swap3A_256 = tpu.vector_load %arg10[%swap3A_254, %swap3A_255] {strides = array<i32>} : memref<160x128xf32, #tpu.memory_space<vmem>>, vector<16xf32>,
        tpu.vector_store %arg10[%swap3A_254, %swap3A_255], %gather3A_238 {strides = array<i32>} : memref<160x128xf32, #tpu.memory_space<vmem>>, vector<16xf32>,
        %swap3A_257 = arith.index_cast %scan3A_236 : i32 to index
        %swap3A_258 = arith.constant 96 : index
        %swap3A_259 = tpu.vector_load %arg10[%swap3A_257, %swap3A_258] {strides = array<i32>} : memref<160x128xf32, #tpu.memory_space<vmem>>, vector<16xf32>,
        tpu.vector_store %arg10[%swap3A_257, %swap3A_258], %gather3A_238 {strides = array<i32>} : memref<160x128xf32, #tpu.memory_space<vmem>>, vector<16xf32>,
        %swap3A_260 = arith.index_cast %scan3A_236 : i32 to index
        %swap3A_261 = arith.constant 112 : index
        %swap3A_262 = tpu.vector_load %arg10[%swap3A_260, %swap3A_261] {strides = array<i32>} : memref<160x128xf32, #tpu.memory_space<vmem>>, vector<16xf32>,
        tpu.vector_store %arg10[%swap3A_260, %swap3A_261], %gather3A_238 {strides = array<i32>} : memref<160x128xf32, #tpu.memory_space<vmem>>, vector<16xf32>,
        %scan3A_263 = arith.constant 0 : i32
        scf.yield %scan3A_263 : i32
      }
      %scan3A_235 = arith.constant 160 : i32
      "tpu.region"() ({
        %run_scoped3A = tpu.sem_alloc : memref<!tpu.dma_semaphore, #tpu.memory_space<semaphore_mem>>
        tpu.enqueue_dma source(%arg10 : memref<160x128xf32, #tpu.memory_space<vmem>>) target(%arg5 : memref<160x128xf32, #tpu.memory_space<hbm>>) target_semaphore(%run_scoped3A : memref<!tpu.dma_semaphore, #tpu.memory_space<semaphore_mem>>)
        tpu.wait_dma2 semaphore(%run_scoped3A : memref<!tpu.dma_semaphore, #tpu.memory_space<semaphore_mem>>) src(%arg10 : memref<160x128xf32, #tpu.memory_space<vmem>>) dst(%arg5 : memref<160x128xf32, #tpu.memory_space<hbm>>)
        tpu.yield
      }) : () -> ()
    } else {
    }
    return
  }
}

module attributes {stable_mosaic.version = 14 : i64} {
  func.func @_tc_body(%arg0: i32, %arg1: memref<160x128xf32, #tpu.memory_space<vmem>>, %arg2: memref<160x8192xf32, #tpu.memory_space<vmem>>, %arg3: memref<160x8192xf32, #tpu.memory_space<vmem>>) attributes {dimension_semantics = [#tpu.dimension_semantics<parallel>], iteration_bounds = array<i64: 4>, scalar_prefetch = 0 : i64, scratch_operands = 0 : i64, tpu.core_type = #tpu.core_type<tc>, window_params = [{pipeline_mode = #tpu.pipeline_mode<synchronous>, transform_indices = @transform_0, window_bounds = array<i64: 160, 128>}, {transform_indices = @transform_1, window_bounds = array<i64: 160, 8192>}, {transform_indices = @transform_2, window_bounds = array<i64: 160, 8192>}]} {
    %get3A = arith.constant 0 : index
    %get3A_0 = arith.constant 0 : index
    %get3A_1 = vector.load %arg2[%get3A, %get3A_0] : memref<160x8192xf32, #tpu.memory_space<vmem>>, vector<160x8192xf32>
    %mul3A = arith.constant 0.577181578 : f32
    %mul3A_2 = vector.broadcast %mul3A : f32 to vector<160x8192xf32>
    %mul3A_3 = arith.mulf %get3A_1, %mul3A_2 : vector<160x8192xf32>
    %get3A_4 = arith.constant 0 : index
    %get3A_5 = arith.constant 0 : index
    %get3A_6 = vector.load %arg1[%get3A_4, %get3A_5] : memref<160x128xf32, #tpu.memory_space<vmem>>, vector<160x1xf32>
    %add3A = vector.broadcast %get3A_6 : vector<160x1xf32> to vector<160x8192xf32>
    %add3A_7 = arith.addf %mul3A_3, %add3A : vector<160x8192xf32>
    %swap3A = arith.constant 0 : index
    %swap3A_8 = arith.constant 0 : index
    %swap3A_9 = vector.load %arg3[%swap3A, %swap3A_8] : memref<160x8192xf32, #tpu.memory_space<vmem>>, vector<160x8192xf32>
    tpu.vector_store %arg3[%swap3A, %swap3A_8], %add3A_7 {strides = array<i32>} : memref<160x8192xf32, #tpu.memory_space<vmem>>, vector<160x8192xf32>,
    return
  }
  func.func @transform_0(%arg0: i32) -> (i32, i32) {
    %c0_i32 = arith.constant 0 : i32
    %c0_i32_0 = arith.constant 0 : i32
    %c0_i32_1 = arith.constant 0 : i32
    return %c0_i32, %c0_i32_0 : i32, i32
  }
  func.func @transform_1(%arg0: i32) -> (i32, i32) {
    %c0_i32 = arith.constant 0 : i32
    %c0_i32_0 = arith.constant 0 : i32
    return %c0_i32, %arg0 : i32, i32
  }
  func.func @transform_2(%arg0: i32) -> (i32, i32) {
    %c0_i32 = arith.constant 0 : i32
    %c0_i32_0 = arith.constant 0 : i32
    return %c0_i32, %arg0 : i32, i32
  }
}

</mosaic_0001>

<sc_bundles>
// kernel: _run.4.cloned.1.call-start
scs
__scs_entry_jumppad:
0x0: {  	(pc) =	sbr.rel $0x88, $3  }
0x1: {  	(tag) =	ssettag $0x0;
	lr =	simm.s32 $0x1  }
0x2: {  	[smem:$0x3F9E] =	sst lr;
	_ =	strace $0xD0000000  }
0x3: {  	_ = 	snop  }
0x4: {  	_ = 	snop  }
0x5: {  	_ = 	snop  }
0x6: {  	_ = 	snop  }
0x7: {  	_ = 	snop  }
__scs_overlays_trampoline_lowered:
0x8: {  	[smem:$0x3FAD] =	sst s0  }
0x9: {  	[smem:$0x3FAE] =	sst s1  }
0xa: {  	[smem:$0x3FAF] =	sst s2  }
0xb: {  	[smem:$0x3FB0] =	sst s3  }
0xc: {  	[smem:$0x3FB1] =	sst s4  }
0xd: {  	[smem:$0x3FB2] =	sst s5  }
0xe: {  	[smem:$0x3FB3] =	sst s6  }
0xf: {  	[smem:$0x3FB4] =	sst s7  }
0x10: {  	[smem:$0x3FB5] =	sst s8  }
0x11: {  	[smem:$0x3FB6] =	sst s9;
	s0 =	simm.s32 @!p0 $0x0  }
0x12: {  	s1 =	sld [smem:$0x3F9C];
	s0 =	simm.s32 @p0 $0x1  }
0x13: {  	[smem:$0x3FB7] =	sst s0;
	s0 =	simm.s32 @!p1 $0x0  }
0x14: {  	s2 =	sld [smem:$0x3F9B];
	s0 =	simm.s32 @p1 $0x1  }
0x15: {  	[smem:$0x3FB8] =	sst s0;
	s0 =	simm.s32 @!p2 $0x0  }
0x16: {  	s3 =	sld [smem:$0x3FDB];
	s0 =	simm.s32 @p2 $0x1  }
0x17: {  	s4 =	simm.s32 $0x1BF5;
	[smem:$0x3FBA] =	sst s0  }
0x18: {  	s0 =	sld [smem:$0x3F9D];
	_ =	swait.ge [sflag:s4], $0x0  }
0x19: {  	s7 =	sld [smem:$0x3F9E]  }
0x1a: {  	s8 =	sadd.s32 $0xFFFFE003, lr  }
0x1b: {  	s9 =	sadd.s32 $0xFFFFFEF7, lr;
	s5 =	simm.s32 $0xFFFFFFFF;
	p2 =	slt.u32 s8, $0xFFFFF086  }
0x1c: {  	p1 =	slt.u32 s9, $0xF7A;
	s5 =	simm.s32 @!p2 $0x0  }
0x1d: {  	s5 =	simm.s32 @p1 $0x1;
	p0 =	seq.s32 s7, s2  }
0x1e: {  	s7 =	smul.u32 @!p0 $0xF7A, s2;
	p2 =	seq.s32 @!p0 s5, $0x0  }
0x1f: {  	s9 =	smul.u32 $0xF7A, s1;
	s8 =	simm.s32 @!p0 $0x1BF5;
	p2 =	por !p2, p0  }
0x20: {  	[sflag:s8] =	ssyncset.s32 @!p0 $0xFFFFF086;
	s6 =	sadd.s32 @!p0 s3, s7;
	s7 =	simm.s32 @!p0 $0x108  }
0x21: {  	s3 =	sadd.s32 s3, s9;
	s6 =	sadd.s32 @!p0 $0x88, s6;
	s7 =	simm.s32 @p2 $0x1082  }
0x22: {  	[simem:s7], [sflag:s8] =	dma.local @!p0 [hbm:s6], $0xF7A  }
0x23: {  	s9 =	sor.u32 $0xD0000000, s2;
	s6 =	simm.s32 $0x108;
	_ =	swait.ge @!p0 [sflag:s8], $0x0  }
0x24: {  	s3 =	sadd.s32 $0x88, s3;
	s6 =	simm.s32 @!p1 $0x1082;
	[sflag:s4] =	ssyncset.s32 $0xFFFFF086  }
0x25: {  	[simem:s6], [sflag:s4] =	dma.local [hbm:s3], $0xF7A  }
0x26: {  	[smem:$0x3F9E] =	sst s1;
	(tag) =	ssettag s2;
	_ =	strace s9  }
0x27: {  	s1 =	sld [smem:$0x3FAE]  }
0x28: {  	s2 =	sld [smem:$0x3FAF]  }
0x29: {  	s4 =	sld [smem:$0x3FB1]  }
0x2a: {  	p0 =	seq.s32 s5, $0x0;
	s5 =	sld [smem:$0x3FB2]  }
0x2b: {  	s6 =	sld [smem:$0x3FB3]  }
0x2c: {  	s7 =	sld [smem:$0x3FB4]  }
0x2d: {  	s3 =	simm.s32 $0x108;
	s8 =	sld [smem:$0x3FB5]  }
0x2e: {  	s3 =	simm.s32 @!p0 $0x1082;
	s9 =	sld [smem:$0x3FB6]  }
0x2f: {  	lr =	sadd.s32 s0, s3;
	s0 =	sld [smem:$0x3FAD]  }
0x30: {  	s3 =	sld [smem:$0x3FB0]  }
0x31: {  	[smem:$0x3FB9] =	sst s10  }
0x32: {  	s10 =	sld [smem:$0x3FB7];
	_ =	sdelay $0x3  }
0x33: {  	p0 =	seq.s32 s10, $0x1;
	s10 =	sld [smem:$0x3FB9];
	_ =	sdelay $0x3  }
0x34: {  	[smem:$0x3FB9] =	sst s10  }
0x35: {  	s10 =	sld [smem:$0x3FB8];
	_ =	sdelay $0x3  }
0x36: {  	p1 =	seq.s32 s10, $0x1;
	s10 =	sld [smem:$0x3FB9];
	_ =	sdelay $0x3  }
0x37: {  	[smem:$0x3FB9] =	sst s10  }
0x38: {  	s10 =	sld [smem:$0x3FBA]  }
0x39: {  	_ = 	snop;
	(pc) =	sbr.ind lr, $3  }
0x3a: {  	_ = 	snop  }
0x3b: {  	_ = 	snop  }
0x3c: {  	p2 =	seq.s32 s10, $0x1;
	s10 =	sld [smem:$0x3FB9]  }
0x3d: {  	_ =	shalt  }
0x3e: {  	_ =	shalt  }
0x3f: {  	_ =	shalt  }
0x40: {  	_ =	shalt  }
0x41: {  	_ =	shalt  }
0x42: {  	_ =	shalt  }
0x43: {  	_ =	shalt  }
0x44: {  	_ =	shalt  }
0x45: {  	_ =	shalt  }
0x46: {  	_ =	shalt  }
0x47: {  	_ =	shalt  }
0x48: {  	_ =	shalt  }
0x49: {  	_ =	shalt  }
0x4a: {  	_ =	shalt  }
0x4b: {  	_ =	shalt  }
0x4c: {  	_ =	shalt  }
0x4d: {  	_ =	shalt  }
0x4e: {  	_ =	shalt  }
0x4f: {  	_ =	shalt  }
0x50: {  	_ =	shalt  }
0x51: {  	_ =	shalt  }
0x52: {  	_ =	shalt  }
0x53: {  	_ =	shalt  }
0x54: {  	_ =	shalt  }
0x55: {  	_ =	shalt  }
0x56: {  	_ =	shalt  }
0x57: {  	_ =	shalt  }
0x58: {  	_ =	shalt  }
0x59: {  	_ =	shalt  }
0x5a: {  	_ =	shalt  }
0x5b: {  	_ =	shalt  }
0x5c: {  	_ =	shalt  }
0x5d: {  	_ =	shalt  }
0x5e: {  	_ =	shalt  }
0x5f: {  	_ =	shalt  }
0x60: {  	_ =	shalt  }
0x61: {  	_ =	shalt  }
0x62: {  	_ =	shalt  }
0x63: {  	_ =	shalt  }
0x64: {  	_ =	shalt  }
0x65: {  	_ =	shalt  }
0x66: {  	_ =	shalt  }
0x67: {  	_ =	shalt  }
0x68: {  	_ =	shalt  }
0x69: {  	_ =	shalt  }
0x6a: {  	_ =	shalt  }
0x6b: {  	_ =	shalt  }
0x6c: {  	_ =	shalt  }
0x6d: {  	_ =	shalt  }
0x6e: {  	_ =	shalt  }
0x6f: {  	_ =	shalt  }
0x70: {  	_ =	shalt  }
0x71: {  	_ =	shalt  }
0x72: {  	_ =	shalt  }
0x73: {  	_ =	shalt  }
0x74: {  	_ =	shalt  }
0x75: {  	_ =	shalt  }
0x76: {  	_ =	shalt  }
0x77: {  	_ =	shalt  }
0x78: {  	_ =	shalt  }
0x79: {  	_ =	shalt  }
0x7a: {  	_ =	shalt  }
0x7b: {  	_ =	shalt  }
0x7c: {  	_ =	shalt  }
0x7d: {  	_ =	shalt  }
0x7e: {  	_ =	shalt  }
0x7f: {  	_ =	shalt  }
0x80: {  	_ =	shalt  }
0x81: {  	_ =	shalt  }
0x82: {  	_ =	shalt  }
0x83: {  	_ =	shalt  }
0x84: {  	_ =	shalt  }
0x85: {  	_ =	shalt  }
0x86: {  	_ =	shalt  }
0x87: {  	_ =	shalt  }
.Lfunc_end0:
.L_simem_size_0:
called_computation_lowered:
.L_overlay_start_0:
0x88: {  	s2 =	sld [smem:$0x3FD9]  }
0x89: {  	s3 =	sld [smem:$0x3FFE];
	_ =	sdelay $0x1  }
0x8a: {  	s1 =	srdreg.scid  }
0x8b: {  	s0 =	sand.u32 $0x1, s1  }
0x8c: {  	s17 =	sshll.u32 s0, $0xA;
	s2 =	sadd.s32 s3, s2  }
0x8d: {  	s2 =	sadd.s32 s2, s17  }
0x8e: {  	[smem:$0x3FC5] =	sst s2  }
0x8f: {  	_ = 	snop  }
0x90: {  	s2 =	sld [smem:$0x3FC8]  }
0x91: {  	s18 =	sld [smem:$0x3FC7]  }
0x92: {  	s4 =	sld [smem:$0x3FD0];
	(tm) =	ssettm $0x1  }
0x93: {  	s5 =	sld [smem:$0x3FFB];
	_ =	sdelay $0x3  }
0x94: {  	_ =	strace s5  }
0x95: {  	s5 =	sld [smem:$0x3FFC];
	_ =	sdelay $0x3  }
0x96: {  	_ =	strace s5  }
0x97: {  	s5 =	sld [smem:$0x3FFD];
	_ =	sdelay $0x3  }
0x98: {  	_ =	strace s5  }
0x99: {  	_ =	strace $0x8FFFFFFF  }
0x9a: {  	s19 =	sld [smem:$0x3FDB];
	_ =	sdelay $0x1  }
0x9b: {  	s6 =	simm.s32 $_scs_section_size  }
0x9c: {  	s7 =	simm.s32 $_size__tile_overlayer_lowered;
	s8 =	simm.s32 $_tile_overlayer_lowered  }
0x9d: {  	s22 =	simm.s32 $0x1BFF;
	s21 =	sshll.u32 s8, $0x1;
	s5 =	sadd.s32 s6, s19  }
0x9e: {  	s9 =	simm.s32 $0x0;
	s20 =	sshll.u32 s7, $0x1;
	s7 =	sadd.s32 s21, s5  }
0x9f: {  	[timem:s9], [sflag:s22] =	dma.local [hbm:s7], s20  }
0xa0: {  	_ =	swait.ge [sflag:s22], s20  }
0xa1: {  	s6 =	ssub.s32 $0x0, s20;
	[sflag:s22] =	ssyncset.done $0x0  }
0xa2: {  	[sflag:s22] =	ssyncadd.s32 s6;
	_ =	sdelay $0x1  }
0xa3: {  	s23 =	simm.s32 $0x1B8B  }
0xa4: {  	_ =	swait.ge [sflag:s23], $0x1  }
0xa5: {  	[sflag:s23] =	ssyncset.done $0x0  }
0xa6: {  	s25 =	simm.s32 $0x1B8E;
	s24 =	sld [smem:$0x3FFE];
	[sflag:s23] =	ssyncadd.s32 $0xFFFFFFFF  }
0xa7: {  	s26 =	simm.s32 $execute0_lowered;
	[smem:$0x3FD2] =	sst s25  }
0xa8: {  	s7 =	sshll.u32 s26, $0x1;
	_ =	strace $0x80000046;
	[dreg:$0x1] =	wrdreg $0xFFFFFFFF  }
0xa9: {  	s28 =	simm.s32 $_size_execute0_lowered;
	s5 =	sadd.s32 s5, s7;
	[dreg:$0x0] =	wrdreg $0x0  }
0xaa: {  	s7 =	sshll.u32 s28, $0x1;
	[dreg:$0x2] =	wrdreg s5  }
0xab: {  	[dreg:$0x3] =	wrdreg s7  }
0xac: {  	[dreg:$0x4] =	wrdreg $0xC0  }
0xad: {  	_ =	task [dreg:s9], $0x5FFFF  }
0xae: {  	[dreg:$0x1] =	wrdreg $0xFFFFFFFF  }
0xaf: {  	[dreg:$0x0] =	wrdreg $0x60  }
0xb0: {  	[dreg:$0x2] =	wrdreg s24  }
0xb1: {  	[dreg:$0x3] =	wrdreg s2  }
0xb2: {  	[dreg:$0x4] =	wrdreg s18  }
0xb3: {  	[dreg:$0x5] =	wrdreg s4  }
0xb4: {  	[dreg:$0x6] =	wrdreg $0x9  }
0xb5: {  	_ =	task.clear_ibuf [dreg:s9], $0x7FFFF;
	_ =	strace $0x90000046  }
0xb6: {  	s29 =	simm.s32 $0x9;
	_ =	strace $0x80000048  }
0xb7: {  	_ =	swait.ge [sflag:s29], $0x1  }
0xb8: {  	[sflag:s29] =	ssyncadd.s32 $0xFFFFFFFF  }
0xb9: {  	_ =	strace $0x90000048  }
0xba: {  	_ =	sfence  }
0xbb: {  	s30 =	sld [smem:$0x0];
	_ =	sdelay $0x2  }
0xbc: {  	s31 =	sshll.u32 s1, $0xD;
	s1 =	sshrl.u32 s1, $0x2  }
0xbd: {  	s3 =	sand.u32 $0x4000, s31;
	s1 =	sadd.s32 s1, s30  }
0xbe: {  	s0 =	sor.u32 s3, s0;
	s1 =	sshll.u32 s1, $0x11  }
0xbf: {  	s0 =	sor.u32 s1, s0  }
0xc0: {  	s0 =	sadd.s32 $0x8F2B, s0  }
0xc1: {  	[sflag:s0] =	ssyncadd.remote.s32 $0x1  }
0xc2: {  	_ =	sfence.sel $0xFFFF  }
0xc3: {  	[dreg:$0x0] =	wrdreg $0xFFFFFFFF;
	(pc) =	sbr.abs _section_cstart, $3  }
0xc4: {  	[dreg:$0x1] =	wrdreg $0xFFFFFFFF  }
0xc5: {  	_ =	task.clear_ibuf [dreg:s9], $0x2FFFF;
	_ =	strace $0x9FFFFFFF  }
0xc6: {  	(tm) =	ssettm $0x7FFFFFFF  }
0xc7: {  	_ =	shalt  }
tec
execute0_lowered:
.L_overlay_start_1:
0x0: {  	(tag) =	ssettag $0x1  }
0x1: {  	s0 =	srdreg.scid  }
0x2: {  	s6 =	sand.u32 $0x1, s0;
	s0 =	stileid.u32  }
0x3: {  	s7 =	sshll.u32 s0, $0x1;
	s8 =	ssub.s32 $0x0, s6  }
0x4: {  	p0 =	sne.s32 s7, s8  }
.Ltmp0:
0x5: {  	s5 =	rddreg [dreg:$0x0];
	(pc) =	sbr.rel @p0 .LBB2_5-.Ltmp0, $4  }
0x6: {  	s1 =	rddreg [dreg:$0x1]  }
0x7: {  	s3 =	rddreg [dreg:$0x2]  }
0x8: {  	s4 =	rddreg [dreg:$0x3]  }
0x9: {  	s2 =	rddreg [dreg:$0x4];
	_ =	strace $0x80000047  }
0xa: {  	s6 =	ssub.s32 $0x2, s6;
	s5 =	sadd.s32 $0x400, s5;
	s8 =	simm.s32 $0x1  }
0xb: {  	s9 =	simm.s32 $0x100;
	s10 =	simm.s32 $0x300;
	s7 =	sshrl.u32 s6, $0x1  }
0xc: {  	s11 =	simm.s32 $0x500;
	s12 =	simm.s32 $0x600;
	s6 =	ssub.s32 s6, s7  }
0xd: {  	s13 =	simm.s32 $0x0;
	s7 =	simm.s32 $0x0;
	s6 =	smax.u32 s6, $0x1  }
.LBB2_2:
0xe: {  	[tilespmem:s7], [sflag:$0x1] =	stream.linear.gather [hbm4b:s5+s7], $0x100, $0x38;
	[tilespmem:$0x5600] =	vst v63  }
0xf: {  	_ =	swait.ge [sflag:s8], $0x100  }
0x10: {  	[sflag:s8] =	ssyncset.done $0x0  }
0x11: {  	[sflag:s8] =	ssyncadd.s32 $0xFFFFFF00  }
0x12: {  	[tilespmem:s9], [sflag:$0x1] =	stream.linear.gather [hbm4b:s1+s7], $0x200, $0x38;
	[tilespmem:$0x5600] =	vst v63  }
0x13: {  	_ =	swait.ge [sflag:s8], $0x200  }
0x14: {  	[sflag:s8] =	ssyncset.done $0x0  }
0x15: {  	[sflag:s8] =	ssyncadd.s32 $0xFFFFFE00  }
0x16: {  	[tilespmem:s10], [sflag:$0x1] =	stream.linear.gather [hbm4b:s3+s7], $0x200, $0x38;
	[tilespmem:$0x5600] =	vst v63  }
0x17: {  	_ =	swait.ge [sflag:s8], $0x200  }
0x18: {  	[sflag:s8] =	ssyncset.done $0x0  }
0x19: {  	[sflag:s8] =	ssyncadd.s32 $0xFFFFFE00  }
0x1a: {  	v0 =	vld [tilespmem:$0x100]  }
0x1b: {  	v1 =	vld [tilespmem:$0x180];
	_ =	sdelay $0x4  }
0x1c: {  	v2 =	vld [tilespmem:$0x300]  }
0x1d: {  	v3 =	vld [tilespmem:$0x380]  }
0x1e: {  	v0 =	vld.idx.msk [tilespmem:v0+s7+$0x0], $0xffff  }
0x1f: {  	v1 =	vld.idx.msk [tilespmem:v1+s7+$0x0], $0xffff;
	_ =	sdelay $0x1  }
0x20: {  	v4 =	vld [tilespmem:$0x110]  }
0x21: {  	v5 =	vld [tilespmem:$0x190];
	_ =	sdelay $0x1  }
0x22: {  	v0 =	vmul.f32 v2, v0;
	v1 =	vmul.f32 v3, v1;
	_ =	sdelay $0x1  }
0x23: {  	v0 =	vadd.f32 v1, v0  }
0x24: {  	v2 =	vld [tilespmem:$0x310]  }
0x25: {  	v3 =	vld [tilespmem:$0x390];
	[tilespmem:$0x500] =	vst v0  }
0x26: {  	v0 =	vld.idx.msk [tilespmem:v4+s7+$0x0], $0xffff  }
0x27: {  	v1 =	vld.idx.msk [tilespmem:v5+s7+$0x0], $0xffff;
	_ =	sdelay $0x1  }
0x28: {  	v48 =	vld [tilespmem:$0x120]  }
0x29: {  	v49 =	vld [tilespmem:$0x1A0];
	_ =	sdelay $0x1  }
0x2a: {  	v0 =	vmul.f32 v2, v0;
	v1 =	vmul.f32 v3, v1;
	_ =	sdelay $0x1  }
0x2b: {  	v0 =	vadd.f32 v1, v0  }
0x2c: {  	v2 =	vld [tilespmem:$0x320]  }
0x2d: {  	v3 =	vld [tilespmem:$0x3A0];
	[tilespmem:$0x510] =	vst v0  }
0x2e: {  	v0 =	vld.idx.msk [tilespmem:v48+s7+$0x0], $0xffff  }
0x2f: {  	v1 =	vld.idx.msk [tilespmem:v49+s7+$0x0], $0xffff;
	_ =	sdelay $0x1  }
0x30: {  	v50 =	vld [tilespmem:$0x130]  }
0x31: {  	v51 =	vld [tilespmem:$0x1B0];
	_ =	sdelay $0x1  }
0x32: {  	v0 =	vmul.f32 v2, v0;
	v1 =	vmul.f32 v3, v1;
	_ =	sdelay $0x1  }
0x33: {  	v0 =	vadd.f32 v1, v0  }
0x34: {  	v2 =	vld [tilespmem:$0x330]  }
0x35: {  	v3 =	vld [tilespmem:$0x3B0];
	[tilespmem:$0x520] =	vst v0  }
0x36: {  	v0 =	vld.idx.msk [tilespmem:v50+s7+$0x0], $0xffff  }
0x37: {  	v1 =	vld.idx.msk [tilespmem:v51+s7+$0x0], $0xffff;
	_ =	sdelay $0x1  }
0x38: {  	v52 =	vld [tilespmem:$0x140]  }
0x39: {  	v53 =	vld [tilespmem:$0x1C0];
	_ =	sdelay $0x1  }
0x3a: {  	v0 =	vmul.f32 v2, v0;
	v1 =	vmul.f32 v3, v1;
	_ =	sdelay $0x1  }
0x3b: {  	v0 =	vadd.f32 v1, v0  }
0x3c: {  	v2 =	vld [tilespmem:$0x340]  }
0x3d: {  	v3 =	vld [tilespmem:$0x3C0];
	[tilespmem:$0x530] =	vst v0  }
0x3e: {  	v0 =	vld.idx.msk [tilespmem:v52+s7+$0x0], $0xffff  }
0x3f: {  	v1 =	vld.idx.msk [tilespmem:v53+s7+$0x0], $0xffff;
	_ =	sdelay $0x1  }
0x40: {  	v54 =	vld [tilespmem:$0x150]  }
0x41: {  	v55 =	vld [tilespmem:$0x1D0];
	_ =	sdelay $0x1  }
0x42: {  	v0 =	vmul.f32 v2, v0;
	v1 =	vmul.f32 v3, v1;
	_ =	sdelay $0x1  }
0x43: {  	v0 =	vadd.f32 v1, v0  }
0x44: {  	v2 =	vld [tilespmem:$0x350]  }
0x45: {  	v3 =	vld [tilespmem:$0x3D0];
	[tilespmem:$0x540] =	vst v0  }
0x46: {  	v0 =	vld.idx.msk [tilespmem:v54+s7+$0x0], $0xffff  }
0x47: {  	v1 =	vld.idx.msk [tilespmem:v55+s7+$0x0], $0xffff;
	_ =	sdelay $0x1  }
0x48: {  	v56 =	vld [tilespmem:$0x160]  }
0x49: {  	v57 =	vld [tilespmem:$0x1E0];
	_ =	sdelay $0x1  }
0x4a: {  	v0 =	vmul.f32 v2, v0;
	v1 =	vmul.f32 v3, v1;
	_ =	sdelay $0x1  }
0x4b: {  	v0 =	vadd.f32 v1, v0  }
0x4c: {  	v2 =	vld [tilespmem:$0x360]  }
0x4d: {  	v3 =	vld [tilespmem:$0x3E0];
	[tilespmem:$0x550] =	vst v0  }
0x4e: {  	v0 =	vld.idx.msk [tilespmem:v56+s7+$0x0], $0xffff  }
0x4f: {  	v1 =	vld.idx.msk [tilespmem:v57+s7+$0x0], $0xffff;
	_ =	sdelay $0x1  }
0x50: {  	v58 =	vld [tilespmem:$0x170]  }
0x51: {  	v59 =	vld [tilespmem:$0x1F0];
	_ =	sdelay $0x1  }
0x52: {  	v0 =	vmul.f32 v2, v0;
	v1 =	vmul.f32 v3, v1;
	_ =	sdelay $0x1  }
0x53: {  	v0 =	vadd.f32 v1, v0  }
0x54: {  	v2 =	vld [tilespmem:$0x370]  }
0x55: {  	v3 =	vld [tilespmem:$0x3F0];
	[tilespmem:$0x560] =	vst v0  }
0x56: {  	v0 =	vld.idx.msk [tilespmem:v58+s7+$0x0], $0xffff  }
0x57: {  	v1 =	vld.idx.msk [tilespmem:v59+s7+$0x0], $0xffff;
	_ =	sdelay $0x1  }
0x58: {  	v60 =	vld [tilespmem:$0x200]  }
0x59: {  	v61 =	vld [tilespmem:$0x280];
	_ =	sdelay $0x1  }
0x5a: {  	v0 =	vmul.f32 v2, v0;
	v1 =	vmul.f32 v3, v1;
	_ =	sdelay $0x1  }
0x5b: {  	v0 =	vadd.f32 v1, v0  }
0x5c: {  	v2 =	vld [tilespmem:$0x400]  }
0x5d: {  	v3 =	vld [tilespmem:$0x480];
	[tilespmem:$0x570] =	vst v0  }
0x5e: {  	v0 =	vld.idx.msk [tilespmem:v60+s7+$0x0], $0xffff  }
0x5f: {  	v1 =	vld.idx.msk [tilespmem:v61+s7+$0x0], $0xffff;
	_ =	sdelay $0x1  }
0x60: {  	v62 =	vld [tilespmem:$0x210]  }
0x61: {  	v63 =	vld [tilespmem:$0x290];
	_ =	sdelay $0x1  }
0x62: {  	v0 =	vmul.f32 v2, v0;
	v1 =	vmul.f32 v3, v1;
	_ =	sdelay $0x1  }
0x63: {  	v0 =	vadd.f32 v1, v0  }
0x64: {  	v2 =	vld [tilespmem:$0x410]  }
0x65: {  	v3 =	vld [tilespmem:$0x490];
	[tilespmem:$0x580] =	vst v0  }
0x66: {  	v0 =	vld.idx.msk [tilespmem:v62+s7+$0x0], $0xffff  }
0x67: {  	v1 =	vld.idx.msk [tilespmem:v63+s7+$0x0], $0xffff;
	_ =	sdelay $0x4  }
0x68: {  	v0 =	vmul.f32 v2, v0;
	v1 =	vmul.f32 v3, v1;
	v2 =	vmov s7;
	_ =	sdelay $0x1  }
0x69: {  	v0 =	vadd.f32 v1, v0;
	_ =	sdelay $0x1  }
0x6a: {  	[tilespmem:$0x590] =	vst v0  }
0x6b: {  	v0 =	vld.idx.msk [tilespmem:v2+s11+$0x0], $0xffff;
	_ =	sdelay $0x3  }
0x6c: {  	s14 =	simm.s32 $0x640  }
0x6d: {  	[tilespmem:s14+$0xFFFFFFC0] =	vst v0  }
0x6e: {  	[tilespmem:s14+$0xFFFFFFD0] =	vst v0  }
0x6f: {  	s15 =	simm.s32 $0x1;
	[tilespmem:s14+$0xFFFFFFE0] =	vst v0  }
0x70: {  	v1 =	vmov s15;
	s15 =	simm.s32 $0x2;
	[tilespmem:s14+$0xFFFFFFF0] =	vst v0  }
.LBB2_3:
0x71: {  	p0 =	sne.s32 s15, $0x9F;
	[tilespmem:s14+$0x0] =	vst v0  }
0x72: {  	[tilespmem:s14+$0x10] =	vst v0  }
0x73: {  	[tilespmem:s14+$0x20] =	vst v0  }
0x74: {  	[tilespmem:s14+$0x30] =	vst v0  }
0x75: {  	v0 =	vld.idx.msk [tilespmem:v1+s11+$0x0], $0xffff;
	_ =	sdelay $0x4  }
.Ltmp1:
0x76: {  	s14 =	sadd.s32 $0x80, s14;
	(pc) =	sbr.rel @p0 .LBB2_3-.Ltmp1, $4  }
0x77: {  	[tilespmem:s14+$0xFFFFFFC0] =	vst v0  }
0x78: {  	[tilespmem:s14+$0xFFFFFFD0] =	vst v0  }
0x79: {  	[tilespmem:s14+$0xFFFFFFE0] =	vst v0  }
0x7a: {  	v1 =	vmov s15;
	s15 =	sadd.s32 $0x1, s15;
	[tilespmem:s14+$0xFFFFFFF0] =	vst v0  }
0x7b: {  	[tilespmem:s14+$0x0] =	vst v0  }
0x7c: {  	[tilespmem:s14+$0x10] =	vst v0  }
0x7d: {  	[tilespmem:s14+$0x20] =	vst v0  }
0x7e: {  	[tilespmem:s14+$0x30] =	vst v0  }
0x7f: {  	v0 =	vld.idx.msk [tilespmem:v1+s11+$0x0], $0xffff;
	_ =	sdelay $0x3  }
0x80: {  	s31 =	sadd.s32 $0x80, s14  }
0x81: {  	[tilespmem:s31+$0xFFFFFFC0] =	vst v0  }
0x82: {  	[tilespmem:s31+$0xFFFFFFD0] =	vst v0  }
0x83: {  	[tilespmem:s31+$0xFFFFFFE0] =	vst v0  }
0x84: {  	[tilespmem:s31+$0xFFFFFFF0] =	vst v0  }
0x85: {  	[tilespmem:s31+$0x0] =	vst v0  }
0x86: {  	s13 =	sadd.s32 $0x1, s13;
	[tilespmem:s31+$0x10] =	vst v0  }
0x87: {  	p0 =	sne.s32 s13, s6;
	[tilespmem:s31+$0x20] =	vst v0  }
.Ltmp2:
0x88: {  	[tilespmem:s31+$0x30] =	vst v0;
	(pc) =	sbr.rel @p0 .LBB2_2-.Ltmp2, $4  }
0x89: {  	[hbm4b:s4+s7] =	stream.linear.scatter [tilespmem:s12], [sflag:$0x1], $0x5000, $0x38;
	[tilespmem:$0x5600] =	vst v63  }
0x8a: {  	_ =	swait.ge [sflag:s8], $0x5000  }
0x8b: {  	[sflag:s8] =	ssyncset.done $0x0  }
0x8c: {  	[sflag:s8] =	ssyncadd.s32 $0xFFFFB000  }
.LBB2_5:
0x8d: {  	_ =	sfence.sel $0x180000  }
0x8e: {  	[bflag:$0x0] =	sbarrier.arrive $0xFFFF  }
0x8f: {  	p0 =	sne.s32 s0, $0x0;
	_ =	strace $0x90000047  }
0x90: {  	s0 =	sadd.s32 @!p0 $0x100000, s2;
	[bflag:$0x2] =	sbarrier.arrive $0xFFFF  }
0x91: {  	[sflag:s0] =	ssyncadd.tile.s32 @!p0 $0x1;
	_ =	shalt  }
.Lfunc_end2:
_tile_overlayer_lowered:
.L_overlay_start_2:
0x92: {  	(tag) =	ssettag $0x2  }
0x93: {  	s0 =	rddreg [dreg:$0x0];
	s2 =	stileid.u32  }
0x94: {  	s1 =	rddreg [dreg:$0x1];
	p0 =	sne.s32 s2, $0x0  }
0x95: {  	s3 =	rddreg [dreg:$0x2];
	[bflag:$0x3] =	sbarrier.arrive $0xFFFF;
	s2 =	simm.s32 @!p0 $0x1C01  }
0x96: {  	[timem:s3], [sflag:s2] =	dma.local @!p0 [hbm:s0], s1  }
0x97: {  	s0 =	simm.s32 @!p0 $0x1  }
0x98: {  	_ =	swait.ge @!p0 [sflag:s0], s1  }
0x99: {  	s1 =	ssub.s32 @!p0 $0x0, s1;
	[sflag:s0] =	ssyncset.done @!p0 $0x0  }
0x9a: {  	[sflag:s0] =	ssyncadd.s32 @!p0 s1  }
0x9b: {  	[bflag:$0x3] =	sbarrier.arrive $0xFFFF  }
0x9c: {  	_ =	shalt  }

</sc_bundles>
